<compile_context>
chip_gen: v7x
topology: tpu7x:2x2x1
jax: 0.10.2.dev20260603
libtpu: 0.0.44.dev20260713+nightly
codegen_flags: <defaults>
</compile_context>

<pallas_src>
import functools

import jax
import jax.numpy as jnp
from jax import lax
from jax.experimental import pallas as pl
from jax.experimental.pallas import tpu as pltpu
from jax.experimental.pallas import tpu_sc as plsc

NUM_EMBEDDINGS = 100000
EMBEDDING_DIM = 128
BATCH = 4096
HIST = 50

_INFO = plsc.get_sparse_core_info()
_NC = _INFO.num_cores
_NS = _INFO.num_subcores
_NW = _NC * _NS
_B_PER_W = BATCH // _NW
_NB = 6
_G = 3


def _sc_gather(idx_hbm, table_hbm):
    mesh = plsc.VectorSubcoreMesh(core_axis_name="c", subcore_axis_name="s")

    @functools.partial(
        pl.kernel,
        mesh=mesh,
        out_type=jax.ShapeDtypeStruct((HIST, BATCH, EMBEDDING_DIM), jnp.float32),
        scratch_types=[
            pltpu.VMEM((HIST, _B_PER_W), jnp.int32),
            pltpu.VMEM((_NB, _B_PER_W, EMBEDDING_DIM), jnp.float32),
            pltpu.SemaphoreType.DMA((_NB,)),
            pltpu.SemaphoreType.DMA((_NB,)),
        ],
    )
    def k(idx_ref, table_ref, out_ref, idx_v, rows_v, gsem, ssem):
        wid = lax.axis_index("s") * _NC + lax.axis_index("c")
        base = wid * _B_PER_W
        pltpu.sync_copy(idx_ref.at[:, pl.ds(base, _B_PER_W)], idx_v)

        def step(j, carry):
            @pl.when(j < HIST)
            def _fire():
                b = j % _NB

                @pl.when(j >= _NB)
                def _reuse():
                    pltpu.make_async_copy(
                        rows_v.at[b], out_ref.at[0, pl.ds(base, _B_PER_W)], ssem.at[b]
                    ).wait()

                pltpu.async_copy(table_ref.at[idx_v.at[j]], rows_v.at[b], gsem.at[b])

            @pl.when(j >= _G)
            def _drain():
                c = j - _G
                b = c % _NB
                pltpu.make_async_copy(
                    table_ref.at[idx_v.at[c]], rows_v.at[b], gsem.at[b]
                ).wait()
                pltpu.async_copy(
                    rows_v.at[b], out_ref.at[c, pl.ds(base, _B_PER_W)], ssem.at[b]
                )

            return carry

        lax.fori_loop(0, HIST + _G, step, 0)

        for b in range(_NB):
            pltpu.make_async_copy(
                rows_v.at[b], out_ref.at[0, pl.ds(base, _B_PER_W)], ssem.at[b]
            ).wait()

    return k(idx_hbm, table_hbm)


def kernel(input_, weight):
    idx_t = input_.astype(jnp.int32).T
    out_hm = _sc_gather(idx_t, weight)
    return jnp.transpose(out_hm, (1, 0, 2))

# --- scband reference (transcript-rebuilt; emitter-appended) ---
"""Pipeline reference for scband-parallel-embedding-1726576855256 (READ-ONLY COPY).

The authoritative reference and input builder live on the scoring server;
editing this copy changes nothing except your own understanding.
"""

import jax, jax.numpy as jnp
import numpy as np

NUM_EMBEDDINGS = 100000
EMBEDDING_DIM = 128
BATCH = 4096
HIST = 50


def setup_inputs(seed: int = 0) -> dict:
    key = jax.random.key(seed)
    k_idx, k_w = jax.random.split(key)
    indices = jax.random.randint(k_idx, (BATCH, HIST), 0, NUM_EMBEDDINGS, dtype=jnp.int64 if jax.config.jax_enable_x64 else jnp.int32)
    # xavier_normal_ init for the (vocab, dim) table: std = sqrt(2/(fan_in+fan_out))
    std = float(np.sqrt(2.0 / (NUM_EMBEDDINGS + EMBEDDING_DIM)))
    weight = jax.random.normal(k_w, (NUM_EMBEDDINGS, EMBEDDING_DIM), dtype=jnp.float32) * std
    return {"input_": indices, "weight": weight}


def reference(input_, weight):
    # ParallelEmbedding.forward with world_size=1:
    #   input_parallel = copy_to_model_parallel_region(input_)  -> identity
    #   output_parallel = F.embedding(input_parallel, weight, ...)
    #   output = gather_from_model_parallel_region(output_parallel) -> identity
    output = jnp.take(weight, input_, axis=0)
    return output

if __name__ == "__main__":
    import jax
    _d = setup_inputs()
    print(jax.jit(kernel)(*tuple(_d.values())))

</pallas_src>

<mosaic_0001>
#map = affine_map<(d0, d1) -> (0, 0)>
#map1 = affine_map<(d0, d1) -> (0, 0, 0)>
module attributes {stable_mosaic.version = 14 : i64} {
  func.func @k(%arg0: i32, %arg1: i32, %arg2: memref<50x4096xi32, #tpu.memory_space<hbm>>, %arg3: memref<100000x128xf32, #tpu.memory_space<hbm>>, %arg4: memref<50x4096x128xf32, #tpu.memory_space<hbm>>, %arg5: memref<50x128xi32, #tpu.memory_space<vmem>>, %arg6: memref<6x128x128xf32, #tpu.memory_space<vmem>>, %arg7: memref<6x!tpu.dma_semaphore, #tpu.memory_space<semaphore_mem>>, %arg8: memref<6x!tpu.dma_semaphore, #tpu.memory_space<semaphore_mem>>) attributes {dimension_semantics = [#tpu.dimension_semantics<core_parallel>, #tpu.dimension_semantics<subcore_parallel>], iteration_bounds = array<i64: 2, 16>, scalar_prefetch = 0 : i64, scratch_operands = 4 : i64, tpu.core_type = #tpu.core_type<sc_vector_subcore>, window_params = [{transform_indices = #map}, {transform_indices = #map}, {transform_indices = #map1}]} {
    %mul3A = arith.constant 2 : i32
    %mul3A_0 = arith.muli %arg1, %mul3A : i32
    %add3A = arith.addi %mul3A_0, %arg0 : i32
    %mul3A_1 = arith.constant 128 : i32
    %mul3A_2 = arith.muli %add3A, %mul3A_1 : i32
    "tpu.region"() ({
      %run_scoped3A = tpu.sem_alloc : memref<!tpu.dma_semaphore, #tpu.memory_space<semaphore_mem>>
      %dma_start3A = arith.constant 0 : i32
      %dma_start3A_121 = tpu.memref_slice %arg2[%dma_start3A, %mul3A_2] : memref<50x4096xi32, #tpu.memory_space<hbm>> -> memref<50x128xi32, #tpu.memory_space<hbm>>
      %dma_start3A_122 = arith.constant 0 : i32
      %dma_start3A_123 = tpu.memref_slice %arg2[%dma_start3A_122, %mul3A_2] : memref<50x4096xi32, #tpu.memory_space<hbm>> -> memref<50x128xi32, #tpu.memory_space<hbm>>
      tpu.enqueue_dma source(%dma_start3A_123 : memref<50x128xi32, #tpu.memory_space<hbm>>) target(%arg5 : memref<50x128xi32, #tpu.memory_space<vmem>>) target_semaphore(%run_scoped3A : memref<!tpu.dma_semaphore, #tpu.memory_space<semaphore_mem>>)
      %dma_wait3A_124 = arith.constant 0 : i32
      %dma_wait3A_125 = tpu.memref_slice %arg2[%dma_wait3A_124, %mul3A_2] : memref<50x4096xi32, #tpu.memory_space<hbm>> -> memref<50x128xi32, #tpu.memory_space<hbm>>
      %dma_wait3A_126 = arith.constant 0 : i32
      %dma_wait3A_127 = tpu.memref_slice %arg2[%dma_wait3A_126, %mul3A_2] : memref<50x4096xi32, #tpu.memory_space<hbm>> -> memref<50x128xi32, #tpu.memory_space<hbm>>
      tpu.wait_dma2 semaphore(%run_scoped3A : memref<!tpu.dma_semaphore, #tpu.memory_space<semaphore_mem>>) src(%dma_wait3A_127 : memref<50x128xi32, #tpu.memory_space<hbm>>) dst(%arg5 : memref<50x128xi32, #tpu.memory_space<vmem>>)
      tpu.yield
    }) : () -> ()
    %scan3A = arith.constant 0 : i32
    %scan3A_3 = arith.constant 0 : i32
    %scan3A_4 = arith.constant 53 : i32
    %scan3A_5 = arith.addi %scan3A_3, %scan3A_4 : i32
    %scan3A_6 = arith.constant 1 : i32
    scf.for %scan3A_121 = %scan3A_3 to %scan3A_5 step %scan3A_6  : i32 {
      %lt3A = arith.constant 50 : i32
      %lt3A_122 = arith.cmpi slt, %scan3A_121, %lt3A : i32
      %convert_element_type3A = arith.extui %lt3A_122 : i1 to i32
      %cond3A = arith.constant 0 : i32
      %cond3A_123 = arith.cmpi ne, %convert_element_type3A, %cond3A : i32
      scf.if %cond3A_123 {
        %jit3A = arith.constant 6 : i32
        %eq3A = arith.constant 0 : i32
        %eq3A_128 = arith.cmpi eq, %jit3A, %eq3A : i32
        %jit3A_129 = arith.constant 1 : i32
        %select_n3A = arith.select %eq3A_128, %jit3A_129, %jit3A : i32
        %rem3A = arith.remsi %scan3A_121, %select_n3A : i32
        %ne3A = arith.constant 0 : i32
        %ne3A_130 = arith.cmpi ne, %rem3A, %ne3A : i32
        %lt3A_131 = arith.constant 0 : i32
        %lt3A_132 = arith.cmpi slt, %rem3A, %lt3A_131 : i32
        %lt3A_133 = arith.constant 0 : i32
        %lt3A_134 = arith.cmpi slt, %select_n3A, %lt3A_133 : i32
        %ne3A_135 = arith.xori %lt3A_132, %lt3A_134 : i1
        %and3A = arith.andi %ne3A_135, %ne3A_130 : i1
        %add3A_136 = arith.addi %rem3A, %select_n3A : i32
        %select_n3A_137 = arith.select %and3A, %add3A_136, %rem3A : i32
        %ge3A_138 = arith.constant 6 : i32
        %ge3A_139 = arith.cmpi sge, %scan3A_121, %ge3A_138 : i32
        %convert_element_type3A_140 = arith.extui %ge3A_139 : i1 to i32
        %cond3A_141 = arith.constant 0 : i32
        %cond3A_142 = arith.cmpi ne, %convert_element_type3A_140, %cond3A_141 : i32
        scf.if %cond3A_142 {
          %dma_wait3A_154 = arith.constant 0 : i32
          %dma_wait3A_155 = arith.constant 0 : i32
          %dma_wait3A_156 = arith.constant 0 : i32
          %dma_wait3A_157 = tpu.memref_slice %arg6[%select_n3A_137, %dma_wait3A_155, %dma_wait3A_156] : memref<6x128x128xf32, #tpu.memory_space<vmem>> -> memref<1x128x128xf32, #tpu.memory_space<vmem>>
          %dma_wait3A_158 = tpu.memref_squeeze %dma_wait3A_157 : memref<1x128x128xf32, #tpu.memory_space<vmem>> -> memref<128x128xf32, #tpu.memory_space<vmem>>
          %dma_wait3A_159 = arith.constant 0 : i32
          %dma_wait3A_160 = tpu.memref_slice %arg4[%dma_wait3A_154, %mul3A_2, %dma_wait3A_159] : memref<50x4096x128xf32, #tpu.memory_space<hbm>> -> memref<1x128x128xf32, #tpu.memory_space<hbm>>
          %dma_wait3A_161 = tpu.memref_squeeze %dma_wait3A_160 : memref<1x128x128xf32, #tpu.memory_space<hbm>> -> memref<128x128xf32, #tpu.memory_space<hbm>>
          %dma_wait3A_162 = tpu.memref_slice %arg8[%select_n3A_137] : memref<6x!tpu.dma_semaphore, #tpu.memory_space<semaphore_mem>> -> memref<1x!tpu.dma_semaphore, #tpu.memory_space<semaphore_mem>>
          %dma_wait3A_163 = tpu.memref_squeeze %dma_wait3A_162 : memref<1x!tpu.dma_semaphore, #tpu.memory_space<semaphore_mem>> -> memref<!tpu.dma_semaphore, #tpu.memory_space<semaphore_mem>>
          %dma_wait3A_164 = arith.constant 0 : i32
          %dma_wait3A_165 = tpu.memref_slice %arg4[%dma_wait3A_154, %mul3A_2, %dma_wait3A_164] : memref<50x4096x128xf32, #tpu.memory_space<hbm>> -> memref<1x128x128xf32, #tpu.memory_space<hbm>>
          %dma_wait3A_166 = tpu.memref_squeeze %dma_wait3A_165 : memref<1x128x128xf32, #tpu.memory_space<hbm>> -> memref<128x128xf32, #tpu.memory_space<hbm>>
          %dma_wait3A_167 = arith.constant 0 : i32
          %dma_wait3A_168 = arith.constant 0 : i32
          %dma_wait3A_169 = tpu.memref_slice %arg6[%select_n3A_137, %dma_wait3A_167, %dma_wait3A_168] : memref<6x128x128xf32, #tpu.memory_space<vmem>> -> memref<1x128x128xf32, #tpu.memory_space<vmem>>
          %dma_wait3A_170 = tpu.memref_squeeze %dma_wait3A_169 : memref<1x128x128xf32, #tpu.memory_space<vmem>> -> memref<128x128xf32, #tpu.memory_space<vmem>>
          tpu.wait_dma2 semaphore(%dma_wait3A_163 : memref<!tpu.dma_semaphore, #tpu.memory_space<semaphore_mem>>) src(%dma_wait3A_170 : memref<128x128xf32, #tpu.memory_space<vmem>>) dst(%dma_wait3A_166 : memref<128x128xf32, #tpu.memory_space<hbm>>)
        } else {
        }
        %dma_start3A = arith.constant 0 : i32
        %dma_start3A_143 = arith.constant 0 : i32
        %dma_start3A_144 = tpu.memref_slice %arg6[%select_n3A_137, %dma_start3A, %dma_start3A_143] : memref<6x128x128xf32, #tpu.memory_space<vmem>> -> memref<1x128x128xf32, #tpu.memory_space<vmem>>
        %dma_start3A_145 = tpu.memref_squeeze %dma_start3A_144 : memref<1x128x128xf32, #tpu.memory_space<vmem>> -> memref<128x128xf32, #tpu.memory_space<vmem>>
        %dma_start3A_146 = arith.constant 0 : i32
        %dma_start3A_147 = tpu.memref_slice %arg5[%scan3A_121, %dma_start3A_146] : memref<50x128xi32, #tpu.memory_space<vmem>> -> memref<1x128xi32, #tpu.memory_space<vmem>>
        %dma_start3A_148 = tpu.memref_squeeze %dma_start3A_147 : memref<1x128xi32, #tpu.memory_space<vmem>> -> memref<128xi32, #tpu.memory_space<vmem>>
        %dma_start3A_149 = arith.constant 0 : i32
        %dma_start3A_150 = arith.constant 0 : i32
        %dma_start3A_151 = tpu.memref_slice %arg3[%dma_start3A_149, %dma_start3A_150] : memref<100000x128xf32, #tpu.memory_space<hbm>> -> memref<100000x128xf32, #tpu.memory_space<hbm>>
        %dma_start3A_152 = tpu.memref_slice %arg7[%select_n3A_137] : memref<6x!tpu.dma_semaphore, #tpu.memory_space<semaphore_mem>> -> memref<1x!tpu.dma_semaphore, #tpu.memory_space<semaphore_mem>>
        %dma_start3A_153 = tpu.memref_squeeze %dma_start3A_152 : memref<1x!tpu.dma_semaphore, #tpu.memory_space<semaphore_mem>> -> memref<!tpu.dma_semaphore, #tpu.memory_space<semaphore_mem>>
        tpu.enqueue_indirect_dma source(%dma_start3A_151 : memref<100000x128xf32, #tpu.memory_space<hbm>>) target(%dma_start3A_145 : memref<128x128xf32, #tpu.memory_space<vmem>>) offsets(%dma_start3A_148 : memref<128xi32, #tpu.memory_space<vmem>>) semaphore(%dma_start3A_153 : memref<!tpu.dma_semaphore, #tpu.memory_space<semaphore_mem>>)
      } else {
      }
      %ge3A = arith.constant 3 : i32
      %ge3A_124 = arith.cmpi sge, %scan3A_121, %ge3A : i32
      %convert_element_type3A_125 = arith.extui %ge3A_124 : i1 to i32
      %cond3A_126 = arith.constant 0 : i32
      %cond3A_127 = arith.cmpi ne, %convert_element_type3A_125, %cond3A_126 : i32
      scf.if %cond3A_127 {
        %sub3A = arith.constant 3 : i32
        %sub3A_128 = arith.subi %scan3A_121, %sub3A : i32
        %jit3A = arith.constant 6 : i32
        %eq3A = arith.constant 0 : i32
        %eq3A_129 = arith.cmpi eq, %jit3A, %eq3A : i32
        %jit3A_130 = arith.constant 1 : i32
        %select_n3A = arith.select %eq3A_129, %jit3A_130, %jit3A : i32
        %rem3A = arith.remsi %sub3A_128, %select_n3A : i32
        %ne3A = arith.constant 0 : i32
        %ne3A_131 = arith.cmpi ne, %rem3A, %ne3A : i32
        %lt3A_132 = arith.constant 0 : i32
        %lt3A_133 = arith.cmpi slt, %rem3A, %lt3A_132 : i32
        %lt3A_134 = arith.constant 0 : i32
        %lt3A_135 = arith.cmpi slt, %select_n3A, %lt3A_134 : i32
        %ne3A_136 = arith.xori %lt3A_133, %lt3A_135 : i1
        %and3A = arith.andi %ne3A_136, %ne3A_131 : i1
        %add3A_137 = arith.addi %rem3A, %select_n3A : i32
        %select_n3A_138 = arith.select %and3A, %add3A_137, %rem3A : i32
        %dma_wait3A_139 = arith.constant 0 : i32
        %dma_wait3A_140 = arith.constant 0 : i32
        %dma_wait3A_141 = tpu.memref_slice %arg6[%select_n3A_138, %dma_wait3A_139, %dma_wait3A_140] : memref<6x128x128xf32, #tpu.memory_space<vmem>> -> memref<1x128x128xf32, #tpu.memory_space<vmem>>
        %dma_wait3A_142 = tpu.memref_squeeze %dma_wait3A_141 : memref<1x128x128xf32, #tpu.memory_space<vmem>> -> memref<128x128xf32, #tpu.memory_space<vmem>>
        %dma_wait3A_143 = arith.constant 0 : i32
        %dma_wait3A_144 = tpu.memref_slice %arg5[%sub3A_128, %dma_wait3A_143] : memref<50x128xi32, #tpu.memory_space<vmem>> -> memref<1x128xi32, #tpu.memory_space<vmem>>
        %dma_wait3A_145 = tpu.memref_squeeze %dma_wait3A_144 : memref<1x128xi32, #tpu.memory_space<vmem>> -> memref<128xi32, #tpu.memory_space<vmem>>
        %dma_wait3A_146 = arith.constant 0 : i32
        %dma_wait3A_147 = arith.constant 0 : i32
        %dma_wait3A_148 = tpu.memref_slice %arg3[%dma_wait3A_146, %dma_wait3A_147] : memref<100000x128xf32, #tpu.memory_space<hbm>> -> memref<100000x128xf32, #tpu.memory_space<hbm>>
        %dma_wait3A_149 = tpu.memref_slice %arg7[%select_n3A_138] : memref<6x!tpu.dma_semaphore, #tpu.memory_space<semaphore_mem>> -> memref<1x!tpu.dma_semaphore, #tpu.memory_space<semaphore_mem>>
        %dma_wait3A_150 = tpu.memref_squeeze %dma_wait3A_149 : memref<1x!tpu.dma_semaphore, #tpu.memory_space<semaphore_mem>> -> memref<!tpu.dma_semaphore, #tpu.memory_space<semaphore_mem>>
        tpu.wait_indirect_dma semaphore(%dma_wait3A_150 : memref<!tpu.dma_semaphore, #tpu.memory_space<semaphore_mem>>) src(%dma_wait3A_148 : memref<100000x128xf32, #tpu.memory_space<hbm>>) dst(%dma_wait3A_142 : memref<128x128xf32, #tpu.memory_space<vmem>>)
        %dma_start3A = arith.constant 0 : i32
        %dma_start3A_151 = arith.constant 0 : i32
        %dma_start3A_152 = tpu.memref_slice %arg6[%select_n3A_138, %dma_start3A, %dma_start3A_151] : memref<6x128x128xf32, #tpu.memory_space<vmem>> -> memref<1x128x128xf32, #tpu.memory_space<vmem>>
        %dma_start3A_153 = tpu.memref_squeeze %dma_start3A_152 : memref<1x128x128xf32, #tpu.memory_space<vmem>> -> memref<128x128xf32, #tpu.memory_space<vmem>>
        %dma_start3A_154 = arith.constant 0 : i32
        %dma_start3A_155 = tpu.memref_slice %arg4[%sub3A_128, %mul3A_2, %dma_start3A_154] : memref<50x4096x128xf32, #tpu.memory_space<hbm>> -> memref<1x128x128xf32, #tpu.memory_space<hbm>>
        %dma_start3A_156 = tpu.memref_squeeze %dma_start3A_155 : memref<1x128x128xf32, #tpu.memory_space<hbm>> -> memref<128x128xf32, #tpu.memory_space<hbm>>
        %dma_start3A_157 = tpu.memref_slice %arg8[%select_n3A_138] : memref<6x!tpu.dma_semaphore, #tpu.memory_space<semaphore_mem>> -> memref<1x!tpu.dma_semaphore, #tpu.memory_space<semaphore_mem>>
        %dma_start3A_158 = tpu.memref_squeeze %dma_start3A_157 : memref<1x!tpu.dma_semaphore, #tpu.memory_space<semaphore_mem>> -> memref<!tpu.dma_semaphore, #tpu.memory_space<semaphore_mem>>
        %dma_start3A_159 = arith.constant 0 : i32
        %dma_start3A_160 = tpu.memref_slice %arg4[%sub3A_128, %mul3A_2, %dma_start3A_159] : memref<50x4096x128xf32, #tpu.memory_space<hbm>> -> memref<1x128x128xf32, #tpu.memory_space<hbm>>
        %dma_start3A_161 = tpu.memref_squeeze %dma_start3A_160 : memref<1x128x128xf32, #tpu.memory_space<hbm>> -> memref<128x128xf32, #tpu.memory_space<hbm>>
        %dma_start3A_162 = arith.constant 0 : i32
        %dma_start3A_163 = arith.constant 0 : i32
        %dma_start3A_164 = tpu.memref_slice %arg6[%select_n3A_138, %dma_start3A_162, %dma_start3A_163] : memref<6x128x128xf32, #tpu.memory_space<vmem>> -> memref<1x128x128xf32, #tpu.memory_space<vmem>>
        %dma_start3A_165 = tpu.memref_squeeze %dma_start3A_164 : memref<1x128x128xf32, #tpu.memory_space<vmem>> -> memref<128x128xf32, #tpu.memory_space<vmem>>
        tpu.enqueue_dma source(%dma_start3A_165 : memref<128x128xf32, #tpu.memory_space<vmem>>) target(%dma_start3A_161 : memref<128x128xf32, #tpu.memory_space<hbm>>) target_semaphore(%dma_start3A_158 : memref<!tpu.dma_semaphore, #tpu.memory_space<semaphore_mem>>)
      } else {
      }
    }
    %scan3A_7 = arith.constant 53 : i32
    %dma_wait3A = arith.constant 0 : i32
    %dma_wait3A_8 = arith.constant 0 : i32
    %dma_wait3A_9 = arith.constant 0 : i32
    %dma_wait3A_10 = arith.constant 0 : i32
    %dma_wait3A_11 = arith.constant 0 : i32
    %dma_wait3A_12 = tpu.memref_slice %arg6[%dma_wait3A, %dma_wait3A_10, %dma_wait3A_11] : memref<6x128x128xf32, #tpu.memory_space<vmem>> -> memref<1x128x128xf32, #tpu.memory_space<vmem>>
    %dma_wait3A_13 = tpu.memref_squeeze %dma_wait3A_12 : memref<1x128x128xf32, #tpu.memory_space<vmem>> -> memref<128x128xf32, #tpu.memory_space<vmem>>
    %dma_wait3A_14 = arith.constant 0 : i32
    %dma_wait3A_15 = tpu.memref_slice %arg4[%dma_wait3A_8, %mul3A_2, %dma_wait3A_14] : memref<50x4096x128xf32, #tpu.memory_space<hbm>> -> memref<1x128x128xf32, #tpu.memory_space<hbm>>
    %dma_wait3A_16 = tpu.memref_squeeze %dma_wait3A_15 : memref<1x128x128xf32, #tpu.memory_space<hbm>> -> memref<128x128xf32, #tpu.memory_space<hbm>>
    %dma_wait3A_17 = tpu.memref_slice %arg8[%dma_wait3A_9] : memref<6x!tpu.dma_semaphore, #tpu.memory_space<semaphore_mem>> -> memref<1x!tpu.dma_semaphore, #tpu.memory_space<semaphore_mem>>
    %dma_wait3A_18 = tpu.memref_squeeze %dma_wait3A_17 : memref<1x!tpu.dma_semaphore, #tpu.memory_space<semaphore_mem>> -> memref<!tpu.dma_semaphore, #tpu.memory_space<semaphore_mem>>
    %dma_wait3A_19 = arith.constant 0 : i32
    %dma_wait3A_20 = tpu.memref_slice %arg4[%dma_wait3A_8, %mul3A_2, %dma_wait3A_19] : memref<50x4096x128xf32, #tpu.memory_space<hbm>> -> memref<1x128x128xf32, #tpu.memory_space<hbm>>
    %dma_wait3A_21 = tpu.memref_squeeze %dma_wait3A_20 : memref<1x128x128xf32, #tpu.memory_space<hbm>> -> memref<128x128xf32, #tpu.memory_space<hbm>>
    %dma_wait3A_22 = arith.constant 0 : i32
    %dma_wait3A_23 = arith.constant 0 : i32
    %dma_wait3A_24 = tpu.memref_slice %arg6[%dma_wait3A, %dma_wait3A_22, %dma_wait3A_23] : memref<6x128x128xf32, #tpu.memory_space<vmem>> -> memref<1x128x128xf32, #tpu.memory_space<vmem>>
    %dma_wait3A_25 = tpu.memref_squeeze %dma_wait3A_24 : memref<1x128x128xf32, #tpu.memory_space<vmem>> -> memref<128x128xf32, #tpu.memory_space<vmem>>
    tpu.wait_dma2 semaphore(%dma_wait3A_18 : memref<!tpu.dma_semaphore, #tpu.memory_space<semaphore_mem>>) src(%dma_wait3A_25 : memref<128x128xf32, #tpu.memory_space<vmem>>) dst(%dma_wait3A_21 : memref<128x128xf32, #tpu.memory_space<hbm>>)
    %dma_wait3A_26 = arith.constant 1 : i32
    %dma_wait3A_27 = arith.constant 0 : i32
    %dma_wait3A_28 = arith.constant 1 : i32
    %dma_wait3A_29 = arith.constant 0 : i32
    %dma_wait3A_30 = arith.constant 0 : i32
    %dma_wait3A_31 = tpu.memref_slice %arg6[%dma_wait3A_26, %dma_wait3A_29, %dma_wait3A_30] : memref<6x128x128xf32, #tpu.memory_space<vmem>> -> memref<1x128x128xf32, #tpu.memory_space<vmem>>
    %dma_wait3A_32 = tpu.memref_squeeze %dma_wait3A_31 : memref<1x128x128xf32, #tpu.memory_space<vmem>> -> memref<128x128xf32, #tpu.memory_space<vmem>>
    %dma_wait3A_33 = arith.constant 0 : i32
    %dma_wait3A_34 = tpu.memref_slice %arg4[%dma_wait3A_27, %mul3A_2, %dma_wait3A_33] : memref<50x4096x128xf32, #tpu.memory_space<hbm>> -> memref<1x128x128xf32, #tpu.memory_space<hbm>>
    %dma_wait3A_35 = tpu.memref_squeeze %dma_wait3A_34 : memref<1x128x128xf32, #tpu.memory_space<hbm>> -> memref<128x128xf32, #tpu.memory_space<hbm>>
    %dma_wait3A_36 = tpu.memref_slice %arg8[%dma_wait3A_28] : memref<6x!tpu.dma_semaphore, #tpu.memory_space<semaphore_mem>> -> memref<1x!tpu.dma_semaphore, #tpu.memory_space<semaphore_mem>>
    %dma_wait3A_37 = tpu.memref_squeeze %dma_wait3A_36 : memref<1x!tpu.dma_semaphore, #tpu.memory_space<semaphore_mem>> -> memref<!tpu.dma_semaphore, #tpu.memory_space<semaphore_mem>>
    %dma_wait3A_38 = arith.constant 0 : i32
    %dma_wait3A_39 = tpu.memref_slice %arg4[%dma_wait3A_27, %mul3A_2, %dma_wait3A_38] : memref<50x4096x128xf32, #tpu.memory_space<hbm>> -> memref<1x128x128xf32, #tpu.memory_space<hbm>>
    %dma_wait3A_40 = tpu.memref_squeeze %dma_wait3A_39 : memref<1x128x128xf32, #tpu.memory_space<hbm>> -> memref<128x128xf32, #tpu.memory_space<hbm>>
    %dma_wait3A_41 = arith.constant 0 : i32
    %dma_wait3A_42 = arith.constant 0 : i32
    %dma_wait3A_43 = tpu.memref_slice %arg6[%dma_wait3A_26, %dma_wait3A_41, %dma_wait3A_42] : memref<6x128x128xf32, #tpu.memory_space<vmem>> -> memref<1x128x128xf32, #tpu.memory_space<vmem>>
    %dma_wait3A_44 = tpu.memref_squeeze %dma_wait3A_43 : memref<1x128x128xf32, #tpu.memory_space<vmem>> -> memref<128x128xf32, #tpu.memory_space<vmem>>
    tpu.wait_dma2 semaphore(%dma_wait3A_37 : memref<!tpu.dma_semaphore, #tpu.memory_space<semaphore_mem>>) src(%dma_wait3A_44 : memref<128x128xf32, #tpu.memory_space<vmem>>) dst(%dma_wait3A_40 : memref<128x128xf32, #tpu.memory_space<hbm>>)
    %dma_wait3A_45 = arith.constant 2 : i32
    %dma_wait3A_46 = arith.constant 0 : i32
    %dma_wait3A_47 = arith.constant 2 : i32
    %dma_wait3A_48 = arith.constant 0 : i32
    %dma_wait3A_49 = arith.constant 0 : i32
    %dma_wait3A_50 = tpu.memref_slice %arg6[%dma_wait3A_45, %dma_wait3A_48, %dma_wait3A_49] : memref<6x128x128xf32, #tpu.memory_space<vmem>> -> memref<1x128x128xf32, #tpu.memory_space<vmem>>
    %dma_wait3A_51 = tpu.memref_squeeze %dma_wait3A_50 : memref<1x128x128xf32, #tpu.memory_space<vmem>> -> memref<128x128xf32, #tpu.memory_space<vmem>>
    %dma_wait3A_52 = arith.constant 0 : i32
    %dma_wait3A_53 = tpu.memref_slice %arg4[%dma_wait3A_46, %mul3A_2, %dma_wait3A_52] : memref<50x4096x128xf32, #tpu.memory_space<hbm>> -> memref<1x128x128xf32, #tpu.memory_space<hbm>>
    %dma_wait3A_54 = tpu.memref_squeeze %dma_wait3A_53 : memref<1x128x128xf32, #tpu.memory_space<hbm>> -> memref<128x128xf32, #tpu.memory_space<hbm>>
    %dma_wait3A_55 = tpu.memref_slice %arg8[%dma_wait3A_47] : memref<6x!tpu.dma_semaphore, #tpu.memory_space<semaphore_mem>> -> memref<1x!tpu.dma_semaphore, #tpu.memory_space<semaphore_mem>>
    %dma_wait3A_56 = tpu.memref_squeeze %dma_wait3A_55 : memref<1x!tpu.dma_semaphore, #tpu.memory_space<semaphore_mem>> -> memref<!tpu.dma_semaphore, #tpu.memory_space<semaphore_mem>>
    %dma_wait3A_57 = arith.constant 0 : i32
    %dma_wait3A_58 = tpu.memref_slice %arg4[%dma_wait3A_46, %mul3A_2, %dma_wait3A_57] : memref<50x4096x128xf32, #tpu.memory_space<hbm>> -> memref<1x128x128xf32, #tpu.memory_space<hbm>>
    %dma_wait3A_59 = tpu.memref_squeeze %dma_wait3A_58 : memref<1x128x128xf32, #tpu.memory_space<hbm>> -> memref<128x128xf32, #tpu.memory_space<hbm>>
    %dma_wait3A_60 = arith.constant 0 : i32
    %dma_wait3A_61 = arith.constant 0 : i32
    %dma_wait3A_62 = tpu.memref_slice %arg6[%dma_wait3A_45, %dma_wait3A_60, %dma_wait3A_61] : memref<6x128x128xf32, #tpu.memory_space<vmem>> -> memref<1x128x128xf32, #tpu.memory_space<vmem>>
    %dma_wait3A_63 = tpu.memref_squeeze %dma_wait3A_62 : memref<1x128x128xf32, #tpu.memory_space<vmem>> -> memref<128x128xf32, #tpu.memory_space<vmem>>
    tpu.wait_dma2 semaphore(%dma_wait3A_56 : memref<!tpu.dma_semaphore, #tpu.memory_space<semaphore_mem>>) src(%dma_wait3A_63 : memref<128x128xf32, #tpu.memory_space<vmem>>) dst(%dma_wait3A_59 : memref<128x128xf32, #tpu.memory_space<hbm>>)
    %dma_wait3A_64 = arith.constant 3 : i32
    %dma_wait3A_65 = arith.constant 0 : i32
    %dma_wait3A_66 = arith.constant 3 : i32
    %dma_wait3A_67 = arith.constant 0 : i32
    %dma_wait3A_68 = arith.constant 0 : i32
    %dma_wait3A_69 = tpu.memref_slice %arg6[%dma_wait3A_64, %dma_wait3A_67, %dma_wait3A_68] : memref<6x128x128xf32, #tpu.memory_space<vmem>> -> memref<1x128x128xf32, #tpu.memory_space<vmem>>
    %dma_wait3A_70 = tpu.memref_squeeze %dma_wait3A_69 : memref<1x128x128xf32, #tpu.memory_space<vmem>> -> memref<128x128xf32, #tpu.memory_space<vmem>>
    %dma_wait3A_71 = arith.constant 0 : i32
    %dma_wait3A_72 = tpu.memref_slice %arg4[%dma_wait3A_65, %mul3A_2, %dma_wait3A_71] : memref<50x4096x128xf32, #tpu.memory_space<hbm>> -> memref<1x128x128xf32, #tpu.memory_space<hbm>>
    %dma_wait3A_73 = tpu.memref_squeeze %dma_wait3A_72 : memref<1x128x128xf32, #tpu.memory_space<hbm>> -> memref<128x128xf32, #tpu.memory_space<hbm>>
    %dma_wait3A_74 = tpu.memref_slice %arg8[%dma_wait3A_66] : memref<6x!tpu.dma_semaphore, #tpu.memory_space<semaphore_mem>> -> memref<1x!tpu.dma_semaphore, #tpu.memory_space<semaphore_mem>>
    %dma_wait3A_75 = tpu.memref_squeeze %dma_wait3A_74 : memref<1x!tpu.dma_semaphore, #tpu.memory_space<semaphore_mem>> -> memref<!tpu.dma_semaphore, #tpu.memory_space<semaphore_mem>>
    %dma_wait3A_76 = arith.constant 0 : i32
    %dma_wait3A_77 = tpu.memref_slice %arg4[%dma_wait3A_65, %mul3A_2, %dma_wait3A_76] : memref<50x4096x128xf32, #tpu.memory_space<hbm>> -> memref<1x128x128xf32, #tpu.memory_space<hbm>>
    %dma_wait3A_78 = tpu.memref_squeeze %dma_wait3A_77 : memref<1x128x128xf32, #tpu.memory_space<hbm>> -> memref<128x128xf32, #tpu.memory_space<hbm>>
    %dma_wait3A_79 = arith.constant 0 : i32
    %dma_wait3A_80 = arith.constant 0 : i32
    %dma_wait3A_81 = tpu.memref_slice %arg6[%dma_wait3A_64, %dma_wait3A_79, %dma_wait3A_80] : memref<6x128x128xf32, #tpu.memory_space<vmem>> -> memref<1x128x128xf32, #tpu.memory_space<vmem>>
    %dma_wait3A_82 = tpu.memref_squeeze %dma_wait3A_81 : memref<1x128x128xf32, #tpu.memory_space<vmem>> -> memref<128x128xf32, #tpu.memory_space<vmem>>
    tpu.wait_dma2 semaphore(%dma_wait3A_75 : memref<!tpu.dma_semaphore, #tpu.memory_space<semaphore_mem>>) src(%dma_wait3A_82 : memref<128x128xf32, #tpu.memory_space<vmem>>) dst(%dma_wait3A_78 : memref<128x128xf32, #tpu.memory_space<hbm>>)
    %dma_wait3A_83 = arith.constant 4 : i32
    %dma_wait3A_84 = arith.constant 0 : i32
    %dma_wait3A_85 = arith.constant 4 : i32
    %dma_wait3A_86 = arith.constant 0 : i32
    %dma_wait3A_87 = arith.constant 0 : i32
    %dma_wait3A_88 = tpu.memref_slice %arg6[%dma_wait3A_83, %dma_wait3A_86, %dma_wait3A_87] : memref<6x128x128xf32, #tpu.memory_space<vmem>> -> memref<1x128x128xf32, #tpu.memory_space<vmem>>
    %dma_wait3A_89 = tpu.memref_squeeze %dma_wait3A_88 : memref<1x128x128xf32, #tpu.memory_space<vmem>> -> memref<128x128xf32, #tpu.memory_space<vmem>>
    %dma_wait3A_90 = arith.constant 0 : i32
    %dma_wait3A_91 = tpu.memref_slice %arg4[%dma_wait3A_84, %mul3A_2, %dma_wait3A_90] : memref<50x4096x128xf32, #tpu.memory_space<hbm>> -> memref<1x128x128xf32, #tpu.memory_space<hbm>>
    %dma_wait3A_92 = tpu.memref_squeeze %dma_wait3A_91 : memref<1x128x128xf32, #tpu.memory_space<hbm>> -> memref<128x128xf32, #tpu.memory_space<hbm>>
    %dma_wait3A_93 = tpu.memref_slice %arg8[%dma_wait3A_85] : memref<6x!tpu.dma_semaphore, #tpu.memory_space<semaphore_mem>> -> memref<1x!tpu.dma_semaphore, #tpu.memory_space<semaphore_mem>>
    %dma_wait3A_94 = tpu.memref_squeeze %dma_wait3A_93 : memref<1x!tpu.dma_semaphore, #tpu.memory_space<semaphore_mem>> -> memref<!tpu.dma_semaphore, #tpu.memory_space<semaphore_mem>>
    %dma_wait3A_95 = arith.constant 0 : i32
    %dma_wait3A_96 = tpu.memref_slice %arg4[%dma_wait3A_84, %mul3A_2, %dma_wait3A_95] : memref<50x4096x128xf32, #tpu.memory_space<hbm>> -> memref<1x128x128xf32, #tpu.memory_space<hbm>>
    %dma_wait3A_97 = tpu.memref_squeeze %dma_wait3A_96 : memref<1x128x128xf32, #tpu.memory_space<hbm>> -> memref<128x128xf32, #tpu.memory_space<hbm>>
    %dma_wait3A_98 = arith.constant 0 : i32
    %dma_wait3A_99 = arith.constant 0 : i32
    %dma_wait3A_100 = tpu.memref_slice %arg6[%dma_wait3A_83, %dma_wait3A_98, %dma_wait3A_99] : memref<6x128x128xf32, #tpu.memory_space<vmem>> -> memref<1x128x128xf32, #tpu.memory_space<vmem>>
    %dma_wait3A_101 = tpu.memref_squeeze %dma_wait3A_100 : memref<1x128x128xf32, #tpu.memory_space<vmem>> -> memref<128x128xf32, #tpu.memory_space<vmem>>
    tpu.wait_dma2 semaphore(%dma_wait3A_94 : memref<!tpu.dma_semaphore, #tpu.memory_space<semaphore_mem>>) src(%dma_wait3A_101 : memref<128x128xf32, #tpu.memory_space<vmem>>) dst(%dma_wait3A_97 : memref<128x128xf32, #tpu.memory_space<hbm>>)
    %dma_wait3A_102 = arith.constant 5 : i32
    %dma_wait3A_103 = arith.constant 0 : i32
    %dma_wait3A_104 = arith.constant 5 : i32
    %dma_wait3A_105 = arith.constant 0 : i32
    %dma_wait3A_106 = arith.constant 0 : i32
    %dma_wait3A_107 = tpu.memref_slice %arg6[%dma_wait3A_102, %dma_wait3A_105, %dma_wait3A_106] : memref<6x128x128xf32, #tpu.memory_space<vmem>> -> memref<1x128x128xf32, #tpu.memory_space<vmem>>
    %dma_wait3A_108 = tpu.memref_squeeze %dma_wait3A_107 : memref<1x128x128xf32, #tpu.memory_space<vmem>> -> memref<128x128xf32, #tpu.memory_space<vmem>>
    %dma_wait3A_109 = arith.constant 0 : i32
    %dma_wait3A_110 = tpu.memref_slice %arg4[%dma_wait3A_103, %mul3A_2, %dma_wait3A_109] : memref<50x4096x128xf32, #tpu.memory_space<hbm>> -> memref<1x128x128xf32, #tpu.memory_space<hbm>>
    %dma_wait3A_111 = tpu.memref_squeeze %dma_wait3A_110 : memref<1x128x128xf32, #tpu.memory_space<hbm>> -> memref<128x128xf32, #tpu.memory_space<hbm>>
    %dma_wait3A_112 = tpu.memref_slice %arg8[%dma_wait3A_104] : memref<6x!tpu.dma_semaphore, #tpu.memory_space<semaphore_mem>> -> memref<1x!tpu.dma_semaphore, #tpu.memory_space<semaphore_mem>>
    %dma_wait3A_113 = tpu.memref_squeeze %dma_wait3A_112 : memref<1x!tpu.dma_semaphore, #tpu.memory_space<semaphore_mem>> -> memref<!tpu.dma_semaphore, #tpu.memory_space<semaphore_mem>>
    %dma_wait3A_114 = arith.constant 0 : i32
    %dma_wait3A_115 = tpu.memref_slice %arg4[%dma_wait3A_103, %mul3A_2, %dma_wait3A_114] : memref<50x4096x128xf32, #tpu.memory_space<hbm>> -> memref<1x128x128xf32, #tpu.memory_space<hbm>>
    %dma_wait3A_116 = tpu.memref_squeeze %dma_wait3A_115 : memref<1x128x128xf32, #tpu.memory_space<hbm>> -> memref<128x128xf32, #tpu.memory_space<hbm>>
    %dma_wait3A_117 = arith.constant 0 : i32
    %dma_wait3A_118 = arith.constant 0 : i32
    %dma_wait3A_119 = tpu.memref_slice %arg6[%dma_wait3A_102, %dma_wait3A_117, %dma_wait3A_118] : memref<6x128x128xf32, #tpu.memory_space<vmem>> -> memref<1x128x128xf32, #tpu.memory_space<vmem>>
    %dma_wait3A_120 = tpu.memref_squeeze %dma_wait3A_119 : memref<1x128x128xf32, #tpu.memory_space<vmem>> -> memref<128x128xf32, #tpu.memory_space<vmem>>
    tpu.wait_dma2 semaphore(%dma_wait3A_113 : memref<!tpu.dma_semaphore, #tpu.memory_space<semaphore_mem>>) src(%dma_wait3A_120 : memref<128x128xf32, #tpu.memory_space<vmem>>) dst(%dma_wait3A_116 : memref<128x128xf32, #tpu.memory_space<hbm>>)
    return
  }
}

</mosaic_0001>

<sc_bundles>
// kernel: kernel.3.cloned.1.call-start
scs
__scs_entry_jumppad:
0x0: {  	(pc) =	sbr.rel $0x88, $3  }
0x1: {  	(tag) =	ssettag $0x0;
	lr =	simm.s32 $0x1  }
0x2: {  	[smem:$0x3F9F] =	sst lr;
	_ =	strace $0xD0000000  }
0x3: {  	_ = 	snop  }
0x4: {  	_ = 	snop  }
0x5: {  	_ = 	snop  }
0x6: {  	_ = 	snop  }
0x7: {  	_ = 	snop  }
__scs_overlays_trampoline_lowered:
0x8: {  	[smem:$0x3FAE] =	sst s0  }
0x9: {  	[smem:$0x3FAF] =	sst s1  }
0xa: {  	[smem:$0x3FB0] =	sst s2  }
0xb: {  	[smem:$0x3FB1] =	sst s3  }
0xc: {  	[smem:$0x3FB2] =	sst s4  }
0xd: {  	[smem:$0x3FB3] =	sst s5  }
0xe: {  	[smem:$0x3FB4] =	sst s6  }
0xf: {  	[smem:$0x3FB5] =	sst s7  }
0x10: {  	[smem:$0x3FB6] =	sst s8  }
0x11: {  	[smem:$0x3FB7] =	sst s9;
	s0 =	simm.s32 @!p0 $0x0  }
0x12: {  	s1 =	sld [smem:$0x3F9D];
	s0 =	simm.s32 @p0 $0x1  }
0x13: {  	[smem:$0x3FB8] =	sst s0;
	s0 =	simm.s32 @!p1 $0x0  }
0x14: {  	s2 =	sld [smem:$0x3F9C];
	s0 =	simm.s32 @p1 $0x1  }
0x15: {  	[smem:$0x3FB9] =	sst s0;
	s0 =	simm.s32 @!p2 $0x0  }
0x16: {  	s3 =	sld [smem:$0x3FDB];
	s0 =	simm.s32 @p2 $0x1  }
0x17: {  	s4 =	simm.s32 $0x1BF5;
	[smem:$0x3FBB] =	sst s0  }
0x18: {  	s0 =	sld [smem:$0x3F9E];
	_ =	swait.ge [sflag:s4], $0x0  }
0x19: {  	s7 =	sld [smem:$0x3F9F]  }
0x1a: {  	s8 =	sadd.s32 $0xFFFFE003, lr  }
0x1b: {  	s9 =	sadd.s32 $0xFFFFFEF7, lr;
	s5 =	simm.s32 $0xFFFFFFFF;
	p2 =	slt.u32 s8, $0xFFFFF086  }
0x1c: {  	p1 =	slt.u32 s9, $0xF7A;
	s5 =	simm.s32 @!p2 $0x0  }
0x1d: {  	s5 =	simm.s32 @p1 $0x1;
	p0 =	seq.s32 s7, s2  }
0x1e: {  	s7 =	smul.u32 @!p0 $0xF7A, s2;
	p2 =	seq.s32 @!p0 s5, $0x0  }
0x1f: {  	s9 =	smul.u32 $0xF7A, s1;
	s8 =	simm.s32 @!p0 $0x1BF5;
	p2 =	por !p2, p0  }
0x20: {  	[sflag:s8] =	ssyncset.s32 @!p0 $0xFFFFF086;
	s6 =	sadd.s32 @!p0 s3, s7;
	s7 =	simm.s32 @!p0 $0x108  }
0x21: {  	s3 =	sadd.s32 s3, s9;
	s6 =	sadd.s32 @!p0 $0x88, s6;
	s7 =	simm.s32 @p2 $0x1082  }
0x22: {  	[simem:s7], [sflag:s8] =	dma.local @!p0 [hbm:s6], $0xF7A  }
0x23: {  	s9 =	sor.u32 $0xD0000000, s2;
	s6 =	simm.s32 $0x108;
	_ =	swait.ge @!p0 [sflag:s8], $0x0  }
0x24: {  	s3 =	sadd.s32 $0x88, s3;
	s6 =	simm.s32 @!p1 $0x1082;
	[sflag:s4] =	ssyncset.s32 $0xFFFFF086  }
0x25: {  	[simem:s6], [sflag:s4] =	dma.local [hbm:s3], $0xF7A  }
0x26: {  	[smem:$0x3F9F] =	sst s1;
	(tag) =	ssettag s2;
	_ =	strace s9  }
0x27: {  	s1 =	sld [smem:$0x3FAF]  }
0x28: {  	s2 =	sld [smem:$0x3FB0]  }
0x29: {  	s4 =	sld [smem:$0x3FB2]  }
0x2a: {  	p0 =	seq.s32 s5, $0x0;
	s5 =	sld [smem:$0x3FB3]  }
0x2b: {  	s6 =	sld [smem:$0x3FB4]  }
0x2c: {  	s7 =	sld [smem:$0x3FB5]  }
0x2d: {  	s3 =	simm.s32 $0x108;
	s8 =	sld [smem:$0x3FB6]  }
0x2e: {  	s3 =	simm.s32 @!p0 $0x1082;
	s9 =	sld [smem:$0x3FB7]  }
0x2f: {  	lr =	sadd.s32 s0, s3;
	s0 =	sld [smem:$0x3FAE]  }
0x30: {  	s3 =	sld [smem:$0x3FB1]  }
0x31: {  	[smem:$0x3FBA] =	sst s10  }
0x32: {  	s10 =	sld [smem:$0x3FB8];
	_ =	sdelay $0x3  }
0x33: {  	p0 =	seq.s32 s10, $0x1;
	s10 =	sld [smem:$0x3FBA];
	_ =	sdelay $0x3  }
0x34: {  	[smem:$0x3FBA] =	sst s10  }
0x35: {  	s10 =	sld [smem:$0x3FB9];
	_ =	sdelay $0x3  }
0x36: {  	p1 =	seq.s32 s10, $0x1;
	s10 =	sld [smem:$0x3FBA];
	_ =	sdelay $0x3  }
0x37: {  	[smem:$0x3FBA] =	sst s10  }
0x38: {  	s10 =	sld [smem:$0x3FBB]  }
0x39: {  	_ = 	snop;
	(pc) =	sbr.ind lr, $3  }
0x3a: {  	_ = 	snop  }
0x3b: {  	_ = 	snop  }
0x3c: {  	p2 =	seq.s32 s10, $0x1;
	s10 =	sld [smem:$0x3FBA]  }
0x3d: {  	_ =	shalt  }
0x3e: {  	_ =	shalt  }
0x3f: {  	_ =	shalt  }
0x40: {  	_ =	shalt  }
0x41: {  	_ =	shalt  }
0x42: {  	_ =	shalt  }
0x43: {  	_ =	shalt  }
0x44: {  	_ =	shalt  }
0x45: {  	_ =	shalt  }
0x46: {  	_ =	shalt  }
0x47: {  	_ =	shalt  }
0x48: {  	_ =	shalt  }
0x49: {  	_ =	shalt  }
0x4a: {  	_ =	shalt  }
0x4b: {  	_ =	shalt  }
0x4c: {  	_ =	shalt  }
0x4d: {  	_ =	shalt  }
0x4e: {  	_ =	shalt  }
0x4f: {  	_ =	shalt  }
0x50: {  	_ =	shalt  }
0x51: {  	_ =	shalt  }
0x52: {  	_ =	shalt  }
0x53: {  	_ =	shalt  }
0x54: {  	_ =	shalt  }
0x55: {  	_ =	shalt  }
0x56: {  	_ =	shalt  }
0x57: {  	_ =	shalt  }
0x58: {  	_ =	shalt  }
0x59: {  	_ =	shalt  }
0x5a: {  	_ =	shalt  }
0x5b: {  	_ =	shalt  }
0x5c: {  	_ =	shalt  }
0x5d: {  	_ =	shalt  }
0x5e: {  	_ =	shalt  }
0x5f: {  	_ =	shalt  }
0x60: {  	_ =	shalt  }
0x61: {  	_ =	shalt  }
0x62: {  	_ =	shalt  }
0x63: {  	_ =	shalt  }
0x64: {  	_ =	shalt  }
0x65: {  	_ =	shalt  }
0x66: {  	_ =	shalt  }
0x67: {  	_ =	shalt  }
0x68: {  	_ =	shalt  }
0x69: {  	_ =	shalt  }
0x6a: {  	_ =	shalt  }
0x6b: {  	_ =	shalt  }
0x6c: {  	_ =	shalt  }
0x6d: {  	_ =	shalt  }
0x6e: {  	_ =	shalt  }
0x6f: {  	_ =	shalt  }
0x70: {  	_ =	shalt  }
0x71: {  	_ =	shalt  }
0x72: {  	_ =	shalt  }
0x73: {  	_ =	shalt  }
0x74: {  	_ =	shalt  }
0x75: {  	_ =	shalt  }
0x76: {  	_ =	shalt  }
0x77: {  	_ =	shalt  }
0x78: {  	_ =	shalt  }
0x79: {  	_ =	shalt  }
0x7a: {  	_ =	shalt  }
0x7b: {  	_ =	shalt  }
0x7c: {  	_ =	shalt  }
0x7d: {  	_ =	shalt  }
0x7e: {  	_ =	shalt  }
0x7f: {  	_ =	shalt  }
0x80: {  	_ =	shalt  }
0x81: {  	_ =	shalt  }
0x82: {  	_ =	shalt  }
0x83: {  	_ =	shalt  }
0x84: {  	_ =	shalt  }
0x85: {  	_ =	shalt  }
0x86: {  	_ =	shalt  }
0x87: {  	_ =	shalt  }
.Lfunc_end0:
.L_simem_size_0:
called_computation_lowered:
.L_overlay_start_0:
0x88: {  	s2 =	sld [smem:$0x3FD9]  }
0x89: {  	s3 =	sld [smem:$0x3FFE];
	_ =	sdelay $0x1  }
0x8a: {  	s1 =	srdreg.scid  }
0x8b: {  	s0 =	sand.u32 $0x1, s1  }
0x8c: {  	s18 =	sshll.u32 s0, $0xA;
	s2 =	sadd.s32 s3, s2  }
0x8d: {  	s2 =	sadd.s32 s2, s18  }
0x8e: {  	[smem:$0x3FC6] =	sst s2  }
0x8f: {  	_ = 	snop  }
0x90: {  	s2 =	sld [smem:$0x3FC9]  }
0x91: {  	s19 =	sld [smem:$0x3FC8]  }
0x92: {  	s4 =	sld [smem:$0x3FD0];
	(tm) =	ssettm $0x1  }
0x93: {  	s5 =	sld [smem:$0x3FFB];
	_ =	sdelay $0x3  }
0x94: {  	_ =	strace s5  }
0x95: {  	s5 =	sld [smem:$0x3FFC];
	_ =	sdelay $0x3  }
0x96: {  	_ =	strace s5  }
0x97: {  	s5 =	sld [smem:$0x3FFD];
	_ =	sdelay $0x3  }
0x98: {  	_ =	strace s5  }
0x99: {  	_ =	strace $0x8FFFFFFF  }
0x9a: {  	s20 =	sld [smem:$0x3FDB];
	_ =	sdelay $0x1  }
0x9b: {  	s6 =	simm.s32 $_scs_section_size  }
0x9c: {  	s7 =	simm.s32 $_size__tile_overlayer_lowered;
	s8 =	simm.s32 $_tile_overlayer_lowered  }
0x9d: {  	s23 =	simm.s32 $0x1BFF;
	s22 =	sshll.u32 s8, $0x1;
	s5 =	sadd.s32 s6, s20  }
0x9e: {  	s9 =	simm.s32 $0x0;
	s21 =	sshll.u32 s7, $0x1;
	s7 =	sadd.s32 s22, s5  }
0x9f: {  	[timem:s9], [sflag:s23] =	dma.local [hbm:s7], s21  }
0xa0: {  	_ =	swait.ge [sflag:s23], s21  }
0xa1: {  	s6 =	ssub.s32 $0x0, s21;
	[sflag:s23] =	ssyncset.done $0x0  }
0xa2: {  	[sflag:s23] =	ssyncadd.s32 s6;
	_ =	sdelay $0x1  }
0xa3: {  	s24 =	simm.s32 $0x1B8B  }
0xa4: {  	_ =	swait.ge [sflag:s24], $0x1  }
0xa5: {  	[sflag:s24] =	ssyncset.done $0x0  }
0xa6: {  	s25 =	simm.s32 $0x1B8E;
	[sflag:s24] =	ssyncadd.s32 $0xFFFFFFFF  }
0xa7: {  	s26 =	simm.s32 $execute0_lowered;
	[smem:$0x3FD2] =	sst s25  }
0xa8: {  	s6 =	sshll.u32 s26, $0x1;
	_ =	strace $0x80000046;
	[dreg:$0x1] =	wrdreg $0xFFFFFFFF  }
0xa9: {  	s28 =	simm.s32 $_size_execute0_lowered;
	s5 =	sadd.s32 s5, s6;
	[dreg:$0x0] =	wrdreg $0x0  }
0xaa: {  	s6 =	sshll.u32 s28, $0x1;
	[dreg:$0x2] =	wrdreg s5  }
0xab: {  	[dreg:$0x3] =	wrdreg s6  }
0xac: {  	[dreg:$0x4] =	wrdreg $0xC0  }
0xad: {  	_ =	task [dreg:s9], $0x5FFFF  }
0xae: {  	[dreg:$0x1] =	wrdreg $0xFFFFFFFF  }
0xaf: {  	[dreg:$0x0] =	wrdreg $0x60  }
0xb0: {  	[dreg:$0x2] =	wrdreg s2  }
0xb1: {  	[dreg:$0x3] =	wrdreg s19  }
0xb2: {  	[dreg:$0x4] =	wrdreg s4  }
0xb3: {  	[dreg:$0x5] =	wrdreg $0x9  }
0xb4: {  	_ =	task.clear_ibuf [dreg:s9], $0x6FFFF;
	_ =	strace $0x90000046  }
0xb5: {  	s29 =	simm.s32 $0x9;
	_ =	strace $0x80000048  }
0xb6: {  	_ =	swait.ge [sflag:s29], $0x1  }
0xb7: {  	[sflag:s29] =	ssyncadd.s32 $0xFFFFFFFF  }
0xb8: {  	_ =	strace $0x90000048  }
0xb9: {  	_ =	sfence  }
0xba: {  	s30 =	sld [smem:$0x0];
	_ =	sdelay $0x2  }
0xbb: {  	s31 =	sshll.u32 s1, $0xD;
	s1 =	sshrl.u32 s1, $0x2  }
0xbc: {  	s3 =	sand.u32 $0x4000, s31;
	s1 =	sadd.s32 s1, s30  }
0xbd: {  	s0 =	sor.u32 s3, s0;
	s1 =	sshll.u32 s1, $0x11  }
0xbe: {  	s0 =	sor.u32 s1, s0  }
0xbf: {  	s0 =	sadd.s32 $0x8F2B, s0  }
0xc0: {  	[sflag:s0] =	ssyncadd.remote.s32 $0x1  }
0xc1: {  	_ =	sfence.sel $0xFFFF  }
0xc2: {  	[dreg:$0x0] =	wrdreg $0xFFFFFFFF;
	(pc) =	sbr.abs _section_cstart, $3  }
0xc3: {  	[dreg:$0x1] =	wrdreg $0xFFFFFFFF  }
0xc4: {  	_ =	task.clear_ibuf [dreg:s9], $0x2FFFF;
	_ =	strace $0x9FFFFFFF  }
0xc5: {  	(tm) =	ssettm $0x7FFFFFFF  }
tec
execute0_lowered:
.L_overlay_start_1:
0x0: {  	(tag) =	ssettag $0x1  }
0x1: {  	s5 =	rddreg [dreg:$0x0]  }
0x2: {  	s1 =	rddreg [dreg:$0x1]  }
0x3: {  	s2 =	rddreg [dreg:$0x2]  }
0x4: {  	s0 =	rddreg [dreg:$0x3];
	s3 =	simm.s32 $0x0;
	s4 =	srdreg.scid  }
0x5: {  	s11 =	simm.s32 $0x1800;
	s12 =	simm.s32 $0xD;
	s13 =	simm.s32 $0x80  }
0x6: {  	s14 =	simm.s32 $0x7;
	s15 =	simm.s32 $0x8;
	s16 =	simm.s32 $0x9  }
0x7: {  	s17 =	simm.s32 $0xA;
	s18 =	simm.s32 $0xB;
	s19 =	simm.s32 $0xC  }
0x8: {  	s20 =	simm.s32 $0x0;
	[smem:$0x7FF] =	sst s3;
	s6 =	sand.u32 $0x1, s4  }
0x9: {  	s4 =	stileid.u32;
	_ =	strace $0x80000047;
	s7 =	ssub.s32 $0x2, s6  }
.Ltmp0:
0xa: {  	s9 =	sshll.u32 s4, $0x8;
	s10 =	sshll.u32 s6, $0x7;
	(pc) =	sbr.rel .LBB2_1-.Ltmp0, $4  }
0xb: {  	s30 =	sshll.u32 s4, $0xF;
	s6 =	sshll.u32 s6, $0xE;
	s8 =	sshrl.u32 s7, $0x1  }
0xc: {  	s9 =	sor.u32 s10, s9;
	s31 =	sor.u32 s6, s30;
	s10 =	simm.s32 $0x8000  }
0xd: {  	s7 =	ssub.s32 s7, s8;
	s5 =	sadd.s32 s5, s9;
	s8 =	sor.u32 $0xFFE80000, s31  }
0xe: {  	s9 =	simm.s32 $0x400;
	s6 =	sadd.s32 $0x6000, s5;
	s7 =	smax.u32 s7, $0x1  }
.LBB2_8:
0xf: {  	_ =	swait.ge [sflag:s14], $0x4000  }
0x10: {  	[sflag:s14] =	ssyncset.done $0x0  }
0x11: {  	[sflag:s14] =	ssyncadd.s32 $0xFFFFC000  }
0x12: {  	_ =	swait.ge [sflag:s15], $0x4000  }
0x13: {  	[sflag:s15] =	ssyncset.done $0x0  }
0x14: {  	[sflag:s15] =	ssyncadd.s32 $0xFFFFC000  }
0x15: {  	_ =	swait.ge [sflag:s16], $0x4000  }
0x16: {  	[sflag:s16] =	ssyncset.done $0x0  }
0x17: {  	[sflag:s16] =	ssyncadd.s32 $0xFFFFC000  }
0x18: {  	_ =	swait.ge [sflag:s17], $0x4000  }
0x19: {  	[sflag:s17] =	ssyncset.done $0x0  }
0x1a: {  	s20 =	sadd.s32 $0x1, s20;
	[sflag:s17] =	ssyncadd.s32 $0xFFFFC000  }
0x1b: {  	p0 =	sne.s32 s20, s7;
	_ =	swait.ge [sflag:s18], $0x4000  }
.Ltmp1:
0x1c: {  	[sflag:s18] =	ssyncset.done $0x0;
	(pc) =	sbr.rel @!p0 .LBB2_9-.Ltmp1, $4  }
0x1d: {  	[sflag:s18] =	ssyncadd.s32 $0xFFFFC000  }
0x1e: {  	_ =	swait.ge [sflag:s19], $0x4000  }
0x1f: {  	[sflag:s19] =	ssyncset.done $0x0  }
0x20: {  	[sflag:s19] =	ssyncadd.s32 $0xFFFFC000  }
.LBB2_1:
0x21: {  	[tilespmem:s3], [sflag:$0xD] =	stream.strided.gather [hbm4b:s5+s9], $0x1800, s10, s9, $0x38;
	[tilespmem:$0x19C00] =	vst v63  }
.Ltmp2:
0x22: {  	_ = 	snop;
	(pc) =	sbr.rel .LBB2_2-.Ltmp2, $4  }
0x23: {  	[tilespmem:s11], [sflag:$0xD] =	stream.linear.gather [hbm4b:s6+s3], $0x100, $0x38;
	[tilespmem:$0x19C00] =	vst v63  }
0x24: {  	_ =	swait.ge [sflag:s12], $0x1900  }
0x25: {  	s21 =	smov.u32 s8;
	[sflag:s12] =	ssyncset.done $0x0  }
0x26: {  	s22 =	simm.s32 $0x0;
	s23 =	simm.s32 $0x0;
	[sflag:s12] =	ssyncadd.s32 $0xFFFFE700  }
.LBB2_4:
0x27: {  	s25 =	sadd.s32 $0x7, s24  }
0x28: {  	_ =	swait.ge [sflag:s25], $0x4000  }
0x29: {  	s26 =	sshll.u32 s24, $0xE;
	[sflag:s25] =	ssyncset.done $0x0  }
0x2a: {  	s31 =	sadd.s32 $0x1, s24;
	s30 =	sor.u32 $0x1C00, s26;
	[sflag:s25] =	ssyncadd.s32 $0xFFFFC000  }
0x2b: {  	[tilespmem:s30], [sflag:s31] =	stream.indirect.gather [hbm4b:s1+s13], $0x80, s22, s13, $0xb8;
	[tilespmem:$0x19C00] =	vst v63  }
.LBB2_6:
0x2c: {  	s24 =	sadd.s32 $0xFFFFFFFD, s23  }
0x2d: {  	s25 =	sand.u32 $0xFF, s24  }
0x2e: {  	s25 =	smul.u32 $0xAB, s25;
	_ =	sdelay $0x1  }
0x2f: {  	s25 =	sshrl.u32 s25, $0xA  }
0x30: {  	s25 =	smul.u32 $0x6, s25;
	_ =	sdelay $0x1  }
0x31: {  	s24 =	ssub.s32 s24, s25  }
0x32: {  	s24 =	sand.u32 $0xFF, s24  }
0x33: {  	s30 =	sadd.s32 $0x1, s24  }
0x34: {  	s26 =	sshrl.u32 s21, $0x3;
	_ =	swait.ge [sflag:s30], $0x4000  }
0x35: {  	s26 =	sadd.s32 s2, s26;
	s31 =	sshll.u32 s24, $0xE;
	[sflag:s30] =	ssyncset.done $0x0  }
0x36: {  	s24 =	sadd.s32 $0x7, s24;
	s25 =	sor.u32 $0x1C00, s31;
	[sflag:s30] =	ssyncadd.s32 $0xFFFFC000  }
0x37: {  	[hbm4b:s26+s3] =	stream.linear.scatter [tilespmem:s25], [sflag:s24], $0x4000, $0x38;
	[tilespmem:$0x19C00] =	vst v63  }
.LBB2_7:
0x38: {  	s23 =	sadd.s32 $0x1, s23  }
0x39: {  	p0 =	sne.s32 s23, $0x35  }
.Ltmp3:
0x3a: {  	_ = 	snop;
	(pc) =	sbr.rel @!p0 .LBB2_8-.Ltmp3, $2  }
0x3b: {  	_ =	sdelay $0x2  }
0x3c: {  	s22 =	sadd.s32 $0x80, s22;
	s21 =	sadd.s32 $0x80000, s21  }
.LBB2_2:
0x3d: {  	p0 =	sgt.u32 s23, $0x31  }
.Ltmp4:
0x3e: {  	_ = 	snop;
	(pc) =	sbr.rel @p0 .LBB2_6-.Ltmp4, $1  }
0x3f: {  	_ =	sdelay $0x3  }
0x40: {  	s24 =	smul.u32 $0xAB, s23;
	_ =	sdelay $0x1  }
0x41: {  	p0 =	slt.u32 s23, $0x6;
	s24 =	sshrl.u32 s24, $0xA  }
.Ltmp5:
0x42: {  	s24 =	sand.u32 $0x3F, s24;
	(pc) =	sbr.rel @!p0 .LBB2_4-.Ltmp5, $3  }
0x43: {  	s24 =	smul.u32 $0x6, s24;
	_ =	sdelay $0x1  }
0x44: {  	s24 =	ssub.s32 s23, s24  }
0x45: {  	s24 =	sand.u32 $0xFF, s24  }
0x46: {  	p0 =	slt.u32 s23, $0x3  }
.Ltmp6:
0x47: {  	_ = 	snop;
	(pc) =	sbr.rel @p0 .LBB2_7-.Ltmp6, $4  }
.Ltmp7:
0x48: {  	_ = 	snop;
	(pc) =	sbr.rel @!p0 .LBB2_6-.Ltmp7, $4  }
0x49: {  	s25 =	sshll.u32 s24, $0xE  }
0x4a: {  	s31 =	sadd.s32 $0x1, s24;
	s25 =	sor.u32 $0x1C00, s25  }
0x4b: {  	[tilespmem:s25], [sflag:s31] =	stream.indirect.gather [hbm4b:s1+s13], $0x80, s22, s13, $0xb8;
	[tilespmem:$0x19C00] =	vst v63  }
0x4c: {  	_ = 	snop  }
.LBB2_9:
0x4d: {  	_ =	sfence.sel $0x180000  }
0x4e: {  	[bflag:$0x0] =	sbarrier.arrive $0xFFFF  }
0x4f: {  	p0 =	sne.s32 s4, $0x0;
	_ =	strace $0x90000047  }
0x50: {  	s0 =	sadd.s32 @!p0 $0x100000, s0;
	[bflag:$0x2] =	sbarrier.arrive $0xFFFF  }
0x51: {  	[sflag:s0] =	ssyncadd.tile.s32 @!p0 $0x1;
	_ =	shalt  }
.Lfunc_end2:
_tile_overlayer_lowered:
.L_overlay_start_2:
0x52: {  	(tag) =	ssettag $0x2  }
0x53: {  	s0 =	rddreg [dreg:$0x0];
	s2 =	stileid.u32  }
0x54: {  	s1 =	rddreg [dreg:$0x1];
	p0 =	sne.s32 s2, $0x0  }
0x55: {  	s3 =	rddreg [dreg:$0x2];
	[bflag:$0x3] =	sbarrier.arrive $0xFFFF;
	s2 =	simm.s32 @!p0 $0x1C0D  }
0x56: {  	[timem:s3], [sflag:s2] =	dma.local @!p0 [hbm:s0], s1  }
0x57: {  	s0 =	simm.s32 @!p0 $0xD  }
0x58: {  	_ =	swait.ge @!p0 [sflag:s0], s1  }
0x59: {  	s1 =	ssub.s32 @!p0 $0x0, s1;
	[sflag:s0] =	ssyncset.done @!p0 $0x0  }
0x5a: {  	[sflag:s0] =	ssyncadd.s32 @!p0 s1  }
0x5b: {  	[bflag:$0x3] =	sbarrier.arrive $0xFFFF  }
0x5c: {  	_ =	shalt  }

</sc_bundles>
